<compile_context>
chip_gen: v7x
topology: tpu7x:2x2x1
jax: 0.10.2.dev20260603
libtpu: 0.0.44.dev20260713+nightly
codegen_flags: <defaults>
</compile_context>

<pallas_src>
import functools

import jax
import jax.numpy as jnp
from jax import lax
from jax.experimental import pallas as pl
from jax.experimental.pallas import tpu as pltpu
from jax.experimental.pallas import tpu_sc as plsc

FEAT = 32
BATCH = 16384
HIST = 50
B = BATCH * HIST
NC = 2
NS = 16
NW = NC * NS
PER_W = B // NW
GROUP = 128
NGROUPS = PER_W // GROUP
WORDS = FEAT // 2

_mesh = plsc.VectorSubcoreMesh(core_axis_name="c", subcore_axis_name="s")


@functools.partial(
    pl.kernel,
    mesh=_mesh,
    out_type=(
        jax.ShapeDtypeStruct((B, WORDS), jnp.int32),
        jax.ShapeDtypeStruct((B, WORDS), jnp.int32),
    ),
    scratch_types=[
        pltpu.VMEM((PER_W,), jnp.int32),
        pltpu.VMEM((GROUP, FEAT), jnp.float32),
        pltpu.VMEM((GROUP, FEAT), jnp.float32),
        pltpu.VMEM((GROUP, WORDS), jnp.int32),
        pltpu.VMEM((GROUP, WORDS), jnp.int32),
        pltpu.SemaphoreType.DMA,
    ],
    compiler_params=pltpu.CompilerParams(
        needs_layout_passes=False, use_tc_tiling_on_sc=False),
)
def _emb_lookup(x_hbm, rt_hbm, it_hbm, out_r_hbm, out_i_hbm,
                idx_v, rows_r, rows_i, pk_r, pk_i, sem):
    wid = lax.axis_index("s") * NC + lax.axis_index("c")
    base = wid * PER_W
    pltpu.sync_copy(x_hbm.at[pl.ds(base, PER_W)], idx_v)

    col_e = lax.iota(jnp.int32, 16) * 2
    col_o = col_e + 1
    half = jnp.full((16,), 0x8000, jnp.int32)
    himask = jnp.full((16,), -0x10000, jnp.int32)

    def group(g, carry):
        gb = g * GROUP
        pltpu.async_copy(rt_hbm.at[idx_v.at[pl.ds(gb, GROUP)]], rows_r, sem).wait()
        pltpu.async_copy(it_hbm.at[idx_v.at[pl.ds(gb, GROUP)]], rows_i, sem).wait()

        def row(r, c2):
            ridx = jnp.full((16,), r, jnp.int32)
            for rows, pk in ((rows_r, pk_r), (rows_i, pk_i)):
                lo = plsc.bitcast(plsc.load_gather(rows, [ridx, col_e]), jnp.int32)
                hi = plsc.bitcast(plsc.load_gather(rows, [ridx, col_o]), jnp.int32)
                lo_b = lax.shift_right_logical(lo + half, 16)
                hi_b = (hi + half) & himask
                pk[r] = lo_b | hi_b
            return c2
        lax.fori_loop(0, GROUP, row, 0, unroll=2)

        pltpu.sync_copy(pk_r, out_r_hbm.at[pl.ds(base + gb, GROUP)])
        pltpu.sync_copy(pk_i, out_i_hbm.at[pl.ds(base + gb, GROUP)])
        return carry

    lax.fori_loop(0, NGROUPS, group, 0)


def kernel(x, real_table, imag_table):
    pk_r, pk_i = _emb_lookup(x.reshape(-1), real_table, imag_table)

    def unpack(p):
        return lax.bitcast_convert_type(p, jnp.bfloat16).reshape(BATCH, HIST, FEAT)

    return unpack(pk_r), unpack(pk_i)

# --- scband reference (transcript-rebuilt; emitter-appended) ---
"""Pipeline reference for scband-complex-embedding-27788438405692 (READ-ONLY COPY).

The authoritative reference and input builder live on the scoring server;
editing this copy changes nothing except your own understanding.
"""

import jax, jax.numpy as jnp
import numpy as np

NUM_EMBEDDINGS = 1000000
FEATURES = 32
BATCH = 16384
HIST = 50


def setup_inputs(seed: int = 0) -> dict:
    key = jax.random.key(seed)
    k1, k2, k3 = jax.random.split(key, 3)
    x = jax.random.randint(k1, (BATCH, HIST), 0, NUM_EMBEDDINGS)
    # flax nn.Embed default init is normal(stddev=1.0) scaled internally; use small normal
    real_table = jax.random.normal(k2, (NUM_EMBEDDINGS, FEATURES), dtype=jnp.float32) * 0.02
    imag_table = jax.random.normal(k3, (NUM_EMBEDDINGS, FEATURES), dtype=jnp.float32) * 0.02
    return {"x": x, "real_table": real_table, "imag_table": imag_table}


def reference(x, real_table, imag_table):
    # Faithful to flax nn.Embed with dtype=bfloat16: params stored fp32,
    # promoted to compute dtype, then gathered by index.
    real = jnp.take(real_table.astype(jnp.bfloat16), x, axis=0)
    imag = jnp.take(imag_table.astype(jnp.bfloat16), x, axis=0)
    return (real, imag)

if __name__ == "__main__":
    import jax
    _d = setup_inputs()
    print(jax.jit(kernel)(*tuple(_d.values())))

</pallas_src>

<mosaic_0001>
#map = affine_map<(d0, d1) -> (0)>
#map1 = affine_map<(d0, d1) -> (0, 0)>
module attributes {stable_mosaic.version = 14 : i64} {
  func.func @_emb_lookup(%arg0: i32, %arg1: i32, %arg2: memref<819200xi32, #tpu.memory_space<hbm>>, %arg3: memref<1000000x32xf32, #tpu.memory_space<hbm>>, %arg4: memref<1000000x32xf32, #tpu.memory_space<hbm>>, %arg5: memref<819200x16xi32, #tpu.memory_space<hbm>>, %arg6: memref<819200x16xi32, #tpu.memory_space<hbm>>, %arg7: memref<25600xi32, #tpu.memory_space<vmem>>, %arg8: memref<128x32xf32, #tpu.memory_space<vmem>>, %arg9: memref<128x32xf32, #tpu.memory_space<vmem>>, %arg10: memref<128x16xi32, #tpu.memory_space<vmem>>, %arg11: memref<128x16xi32, #tpu.memory_space<vmem>>, %arg12: memref<!tpu.dma_semaphore, #tpu.memory_space<semaphore_mem>>) attributes {dimension_semantics = [#tpu.dimension_semantics<core_parallel>, #tpu.dimension_semantics<subcore_parallel>], iteration_bounds = array<i64: 2, 16>, scalar_prefetch = 0 : i64, scratch_operands = 6 : i64, tpu.core_type = #tpu.core_type<sc_vector_subcore>, window_params = [{transform_indices = #map}, {transform_indices = #map1}, {transform_indices = #map1}, {transform_indices = #map1}, {transform_indices = #map1}]} {
    %mul3A = arith.constant 2 : i32
    %mul3A_0 = arith.muli %arg1, %mul3A : i32
    %add3A = arith.addi %mul3A_0, %arg0 : i32
    %mul3A_1 = arith.constant 25600 : i32
    %mul3A_2 = arith.muli %add3A, %mul3A_1 : i32
    "tpu.region"() ({
      %run_scoped3A = tpu.sem_alloc : memref<!tpu.dma_semaphore, #tpu.memory_space<semaphore_mem>>
      %dma_start3A = tpu.memref_slice %arg2[%mul3A_2] : memref<819200xi32, #tpu.memory_space<hbm>> -> memref<25600xi32, #tpu.memory_space<hbm>>
      %dma_start3A_17 = tpu.memref_slice %arg2[%mul3A_2] : memref<819200xi32, #tpu.memory_space<hbm>> -> memref<25600xi32, #tpu.memory_space<hbm>>
      tpu.enqueue_dma source(%dma_start3A_17 : memref<25600xi32, #tpu.memory_space<hbm>>) target(%arg7 : memref<25600xi32, #tpu.memory_space<vmem>>) target_semaphore(%run_scoped3A : memref<!tpu.dma_semaphore, #tpu.memory_space<semaphore_mem>>)
      %dma_wait3A = tpu.memref_slice %arg2[%mul3A_2] : memref<819200xi32, #tpu.memory_space<hbm>> -> memref<25600xi32, #tpu.memory_space<hbm>>
      %dma_wait3A_18 = tpu.memref_slice %arg2[%mul3A_2] : memref<819200xi32, #tpu.memory_space<hbm>> -> memref<25600xi32, #tpu.memory_space<hbm>>
      tpu.wait_dma2 semaphore(%run_scoped3A : memref<!tpu.dma_semaphore, #tpu.memory_space<semaphore_mem>>) src(%dma_wait3A_18 : memref<25600xi32, #tpu.memory_space<hbm>>) dst(%arg7 : memref<25600xi32, #tpu.memory_space<vmem>>)
      tpu.yield
    }) : () -> ()
    %iota3A = tpu.iota {dimensions = array<i32: 0>} : vector<16xi32>
    %mul3A_3 = arith.constant 2 : i32
    %mul3A_4 = vector.broadcast %mul3A_3 : i32 to vector<16xi32>
    %mul3A_5 = arith.muli %iota3A, %mul3A_4 : vector<16xi32>
    %add3A_6 = arith.constant 1 : i32
    %add3A_7 = vector.broadcast %add3A_6 : i32 to vector<16xi32>
    %add3A_8 = arith.addi %mul3A_5, %add3A_7 : vector<16xi32>
    %broadcast_in_dim3A = arith.constant 32768 : i32
    %broadcast_in_dim3A_9 = vector.broadcast %broadcast_in_dim3A : i32 to vector<16xi32>
    %broadcast_in_dim3A_10 = arith.constant -65536 : i32
    %broadcast_in_dim3A_11 = vector.broadcast %broadcast_in_dim3A_10 : i32 to vector<16xi32>
    %scan3A = arith.constant 0 : i32
    %scan3A_12 = arith.constant 0 : i32
    %scan3A_13 = arith.constant 200 : i32
    %scan3A_14 = arith.addi %scan3A_12, %scan3A_13 : i32
    %scan3A_15 = arith.constant 1 : i32
    scf.for %scan3A_17 = %scan3A_12 to %scan3A_14 step %scan3A_15  : i32 {
      %mul3A_18 = arith.constant 128 : i32
      %mul3A_19 = arith.muli %scan3A_17, %mul3A_18 : i32
      %dma_start3A = tpu.memref_slice %arg7[%mul3A_19] : memref<25600xi32, #tpu.memory_space<vmem>> -> memref<128xi32, #tpu.memory_space<vmem>>
      %dma_start3A_20 = arith.constant 0 : i32
      %dma_start3A_21 = arith.constant 0 : i32
      %dma_start3A_22 = tpu.memref_slice %arg3[%dma_start3A_20, %dma_start3A_21] : memref<1000000x32xf32, #tpu.memory_space<hbm>> -> memref<1000000x32xf32, #tpu.memory_space<hbm>>
      tpu.enqueue_indirect_dma source(%dma_start3A_22 : memref<1000000x32xf32, #tpu.memory_space<hbm>>) target(%arg8 : memref<128x32xf32, #tpu.memory_space<vmem>>) offsets(%dma_start3A : memref<128xi32, #tpu.memory_space<vmem>>) semaphore(%arg12 : memref<!tpu.dma_semaphore, #tpu.memory_space<semaphore_mem>>)
      %dma_wait3A = tpu.memref_slice %arg7[%mul3A_19] : memref<25600xi32, #tpu.memory_space<vmem>> -> memref<128xi32, #tpu.memory_space<vmem>>
      %dma_wait3A_23 = arith.constant 0 : i32
      %dma_wait3A_24 = arith.constant 0 : i32
      %dma_wait3A_25 = tpu.memref_slice %arg3[%dma_wait3A_23, %dma_wait3A_24] : memref<1000000x32xf32, #tpu.memory_space<hbm>> -> memref<1000000x32xf32, #tpu.memory_space<hbm>>
      tpu.wait_indirect_dma semaphore(%arg12 : memref<!tpu.dma_semaphore, #tpu.memory_space<semaphore_mem>>) src(%dma_wait3A_25 : memref<1000000x32xf32, #tpu.memory_space<hbm>>) dst(%arg8 : memref<128x32xf32, #tpu.memory_space<vmem>>)
      %dma_start3A_26 = tpu.memref_slice %arg7[%mul3A_19] : memref<25600xi32, #tpu.memory_space<vmem>> -> memref<128xi32, #tpu.memory_space<vmem>>
      %dma_start3A_27 = arith.constant 0 : i32
      %dma_start3A_28 = arith.constant 0 : i32
      %dma_start3A_29 = tpu.memref_slice %arg4[%dma_start3A_27, %dma_start3A_28] : memref<1000000x32xf32, #tpu.memory_space<hbm>> -> memref<1000000x32xf32, #tpu.memory_space<hbm>>
      tpu.enqueue_indirect_dma source(%dma_start3A_29 : memref<1000000x32xf32, #tpu.memory_space<hbm>>) target(%arg9 : memref<128x32xf32, #tpu.memory_space<vmem>>) offsets(%dma_start3A_26 : memref<128xi32, #tpu.memory_space<vmem>>) semaphore(%arg12 : memref<!tpu.dma_semaphore, #tpu.memory_space<semaphore_mem>>)
      %dma_wait3A_30 = tpu.memref_slice %arg7[%mul3A_19] : memref<25600xi32, #tpu.memory_space<vmem>> -> memref<128xi32, #tpu.memory_space<vmem>>
      %dma_wait3A_31 = arith.constant 0 : i32
      %dma_wait3A_32 = arith.constant 0 : i32
      %dma_wait3A_33 = tpu.memref_slice %arg4[%dma_wait3A_31, %dma_wait3A_32] : memref<1000000x32xf32, #tpu.memory_space<hbm>> -> memref<1000000x32xf32, #tpu.memory_space<hbm>>
      tpu.wait_indirect_dma semaphore(%arg12 : memref<!tpu.dma_semaphore, #tpu.memory_space<semaphore_mem>>) src(%dma_wait3A_33 : memref<1000000x32xf32, #tpu.memory_space<hbm>>) dst(%arg9 : memref<128x32xf32, #tpu.memory_space<vmem>>)
      %scan3A_34 = arith.constant 0 : i32
      %scan3A_35 = arith.constant 0 : i32
      %scan3A_36 = arith.constant 128 : i32
      %scan3A_37 = arith.addi %scan3A_35, %scan3A_36 : i32
      %scan3A_38 = arith.constant 2 : i32
      scf.for %scan3A_42 = %scan3A_35 to %scan3A_37 step %scan3A_38  : i32 {
        %broadcast_in_dim3A_43 = vector.broadcast %scan3A_42 : i32 to vector<16xi32>
        %gather3A = tpu.vector_load_idx %arg8[%broadcast_in_dim3A_43, %mul3A_5] : memref<128x32xf32, #tpu.memory_space<vmem>>[vector<16xi32>, vector<16xi32>], vector<16xf32>,
        %bitcast3A = vector.bitcast %gather3A : vector<16xf32> to vector<16xi32>
        %gather3A_44 = tpu.vector_load_idx %arg8[%broadcast_in_dim3A_43, %add3A_8] : memref<128x32xf32, #tpu.memory_space<vmem>>[vector<16xi32>, vector<16xi32>], vector<16xf32>,
        %bitcast3A_45 = vector.bitcast %gather3A_44 : vector<16xf32> to vector<16xi32>
        %add3A_46 = arith.addi %bitcast3A, %broadcast_in_dim3A_9 : vector<16xi32>
        %shift_right_logical3A = arith.constant 16 : i32
        %shift_right_logical3A_47 = vector.broadcast %shift_right_logical3A : i32 to vector<16xi32>
        %shift_right_logical3A_48 = arith.shrui %add3A_46, %shift_right_logical3A_47 : vector<16xi32>
        %add3A_49 = arith.addi %bitcast3A_45, %broadcast_in_dim3A_9 : vector<16xi32>
        %and3A = arith.andi %add3A_49, %broadcast_in_dim3A_11 : vector<16xi32>
        %or3A = arith.ori %shift_right_logical3A_48, %and3A : vector<16xi32>
        %swap3A = arith.index_cast %scan3A_42 : i32 to index
        %swap3A_50 = arith.constant 0 : index
        %swap3A_51 = tpu.vector_load %arg10[%swap3A, %swap3A_50] {strides = array<i32>} : memref<128x16xi32, #tpu.memory_space<vmem>>, vector<16xi32>,
        tpu.vector_store %arg10[%swap3A, %swap3A_50], %or3A {strides = array<i32>} : memref<128x16xi32, #tpu.memory_space<vmem>>, vector<16xi32>,
        %gather3A_52 = tpu.vector_load_idx %arg9[%broadcast_in_dim3A_43, %mul3A_5] : memref<128x32xf32, #tpu.memory_space<vmem>>[vector<16xi32>, vector<16xi32>], vector<16xf32>,
        %bitcast3A_53 = vector.bitcast %gather3A_52 : vector<16xf32> to vector<16xi32>
        %gather3A_54 = tpu.vector_load_idx %arg9[%broadcast_in_dim3A_43, %add3A_8] : memref<128x32xf32, #tpu.memory_space<vmem>>[vector<16xi32>, vector<16xi32>], vector<16xf32>,
        %bitcast3A_55 = vector.bitcast %gather3A_54 : vector<16xf32> to vector<16xi32>
        %add3A_56 = arith.addi %bitcast3A_53, %broadcast_in_dim3A_9 : vector<16xi32>
        %shift_right_logical3A_57 = arith.constant 16 : i32
        %shift_right_logical3A_58 = vector.broadcast %shift_right_logical3A_57 : i32 to vector<16xi32>
        %shift_right_logical3A_59 = arith.shrui %add3A_56, %shift_right_logical3A_58 : vector<16xi32>
        %add3A_60 = arith.addi %bitcast3A_55, %broadcast_in_dim3A_9 : vector<16xi32>
        %and3A_61 = arith.andi %add3A_60, %broadcast_in_dim3A_11 : vector<16xi32>
        %or3A_62 = arith.ori %shift_right_logical3A_59, %and3A_61 : vector<16xi32>
        %swap3A_63 = arith.index_cast %scan3A_42 : i32 to index
        %swap3A_64 = arith.constant 0 : index
        %swap3A_65 = tpu.vector_load %arg11[%swap3A_63, %swap3A_64] {strides = array<i32>} : memref<128x16xi32, #tpu.memory_space<vmem>>, vector<16xi32>,
        tpu.vector_store %arg11[%swap3A_63, %swap3A_64], %or3A_62 {strides = array<i32>} : memref<128x16xi32, #tpu.memory_space<vmem>>, vector<16xi32>,
        %scan3A_66 = arith.constant 1 : i32
        %scan3A_67 = arith.addi %scan3A_42, %scan3A_66 : i32
        %broadcast_in_dim3A_68 = vector.broadcast %scan3A_67 : i32 to vector<16xi32>
        %gather3A_69 = tpu.vector_load_idx %arg8[%broadcast_in_dim3A_68, %mul3A_5] : memref<128x32xf32, #tpu.memory_space<vmem>>[vector<16xi32>, vector<16xi32>], vector<16xf32>,
        %bitcast3A_70 = vector.bitcast %gather3A_69 : vector<16xf32> to vector<16xi32>
        %gather3A_71 = tpu.vector_load_idx %arg8[%broadcast_in_dim3A_68, %add3A_8] : memref<128x32xf32, #tpu.memory_space<vmem>>[vector<16xi32>, vector<16xi32>], vector<16xf32>,
        %bitcast3A_72 = vector.bitcast %gather3A_71 : vector<16xf32> to vector<16xi32>
        %add3A_73 = arith.addi %bitcast3A_70, %broadcast_in_dim3A_9 : vector<16xi32>
        %shift_right_logical3A_74 = arith.constant 16 : i32
        %shift_right_logical3A_75 = vector.broadcast %shift_right_logical3A_74 : i32 to vector<16xi32>
        %shift_right_logical3A_76 = arith.shrui %add3A_73, %shift_right_logical3A_75 : vector<16xi32>
        %add3A_77 = arith.addi %bitcast3A_72, %broadcast_in_dim3A_9 : vector<16xi32>
        %and3A_78 = arith.andi %add3A_77, %broadcast_in_dim3A_11 : vector<16xi32>
        %or3A_79 = arith.ori %shift_right_logical3A_76, %and3A_78 : vector<16xi32>
        %swap3A_80 = arith.index_cast %scan3A_67 : i32 to index
        %swap3A_81 = arith.constant 0 : index
        %swap3A_82 = tpu.vector_load %arg10[%swap3A_80, %swap3A_81] {strides = array<i32>} : memref<128x16xi32, #tpu.memory_space<vmem>>, vector<16xi32>,
        tpu.vector_store %arg10[%swap3A_80, %swap3A_81], %or3A_79 {strides = array<i32>} : memref<128x16xi32, #tpu.memory_space<vmem>>, vector<16xi32>,
        %gather3A_83 = tpu.vector_load_idx %arg9[%broadcast_in_dim3A_68, %mul3A_5] : memref<128x32xf32, #tpu.memory_space<vmem>>[vector<16xi32>, vector<16xi32>], vector<16xf32>,
        %bitcast3A_84 = vector.bitcast %gather3A_83 : vector<16xf32> to vector<16xi32>
        %gather3A_85 = tpu.vector_load_idx %arg9[%broadcast_in_dim3A_68, %add3A_8] : memref<128x32xf32, #tpu.memory_space<vmem>>[vector<16xi32>, vector<16xi32>], vector<16xf32>,
        %bitcast3A_86 = vector.bitcast %gather3A_85 : vector<16xf32> to vector<16xi32>
        %add3A_87 = arith.addi %bitcast3A_84, %broadcast_in_dim3A_9 : vector<16xi32>
        %shift_right_logical3A_88 = arith.constant 16 : i32
        %shift_right_logical3A_89 = vector.broadcast %shift_right_logical3A_88 : i32 to vector<16xi32>
        %shift_right_logical3A_90 = arith.shrui %add3A_87, %shift_right_logical3A_89 : vector<16xi32>
        %add3A_91 = arith.addi %bitcast3A_86, %broadcast_in_dim3A_9 : vector<16xi32>
        %and3A_92 = arith.andi %add3A_91, %broadcast_in_dim3A_11 : vector<16xi32>
        %or3A_93 = arith.ori %shift_right_logical3A_90, %and3A_92 : vector<16xi32>
        %swap3A_94 = arith.index_cast %scan3A_67 : i32 to index
        %swap3A_95 = arith.constant 0 : index
        %swap3A_96 = tpu.vector_load %arg11[%swap3A_94, %swap3A_95] {strides = array<i32>} : memref<128x16xi32, #tpu.memory_space<vmem>>, vector<16xi32>,
        tpu.vector_store %arg11[%swap3A_94, %swap3A_95], %or3A_93 {strides = array<i32>} : memref<128x16xi32, #tpu.memory_space<vmem>>, vector<16xi32>,
      }
      %scan3A_39 = arith.constant 128 : i32
      %add3A_40 = arith.addi %mul3A_2, %mul3A_19 : i32
      "tpu.region"() ({
        %run_scoped3A = tpu.sem_alloc : memref<!tpu.dma_semaphore, #tpu.memory_space<semaphore_mem>>
        %dma_start3A_42 = arith.constant 0 : i32
        %dma_start3A_43 = tpu.memref_slice %arg5[%add3A_40, %dma_start3A_42] : memref<819200x16xi32, #tpu.memory_space<hbm>> -> memref<128x16xi32, #tpu.memory_space<hbm>>
        %dma_start3A_44 = arith.constant 0 : i32
        %dma_start3A_45 = tpu.memref_slice %arg5[%add3A_40, %dma_start3A_44] : memref<819200x16xi32, #tpu.memory_space<hbm>> -> memref<128x16xi32, #tpu.memory_space<hbm>>
        tpu.enqueue_dma source(%arg10 : memref<128x16xi32, #tpu.memory_space<vmem>>) target(%dma_start3A_45 : memref<128x16xi32, #tpu.memory_space<hbm>>) target_semaphore(%run_scoped3A : memref<!tpu.dma_semaphore, #tpu.memory_space<semaphore_mem>>)
        %dma_wait3A_46 = arith.constant 0 : i32
        %dma_wait3A_47 = tpu.memref_slice %arg5[%add3A_40, %dma_wait3A_46] : memref<819200x16xi32, #tpu.memory_space<hbm>> -> memref<128x16xi32, #tpu.memory_space<hbm>>
        %dma_wait3A_48 = arith.constant 0 : i32
        %dma_wait3A_49 = tpu.memref_slice %arg5[%add3A_40, %dma_wait3A_48] : memref<819200x16xi32, #tpu.memory_space<hbm>> -> memref<128x16xi32, #tpu.memory_space<hbm>>
        tpu.wait_dma2 semaphore(%run_scoped3A : memref<!tpu.dma_semaphore, #tpu.memory_space<semaphore_mem>>) src(%arg10 : memref<128x16xi32, #tpu.memory_space<vmem>>) dst(%dma_wait3A_49 : memref<128x16xi32, #tpu.memory_space<hbm>>)
        tpu.yield
      }) : () -> ()
      %add3A_41 = arith.addi %mul3A_2, %mul3A_19 : i32
      "tpu.region"() ({
        %run_scoped3A = tpu.sem_alloc : memref<!tpu.dma_semaphore, #tpu.memory_space<semaphore_mem>>
        %dma_start3A_42 = arith.constant 0 : i32
        %dma_start3A_43 = tpu.memref_slice %arg6[%add3A_41, %dma_start3A_42] : memref<819200x16xi32, #tpu.memory_space<hbm>> -> memref<128x16xi32, #tpu.memory_space<hbm>>
        %dma_start3A_44 = arith.constant 0 : i32
        %dma_start3A_45 = tpu.memref_slice %arg6[%add3A_41, %dma_start3A_44] : memref<819200x16xi32, #tpu.memory_space<hbm>> -> memref<128x16xi32, #tpu.memory_space<hbm>>
        tpu.enqueue_dma source(%arg11 : memref<128x16xi32, #tpu.memory_space<vmem>>) target(%dma_start3A_45 : memref<128x16xi32, #tpu.memory_space<hbm>>) target_semaphore(%run_scoped3A : memref<!tpu.dma_semaphore, #tpu.memory_space<semaphore_mem>>)
        %dma_wait3A_46 = arith.constant 0 : i32
        %dma_wait3A_47 = tpu.memref_slice %arg6[%add3A_41, %dma_wait3A_46] : memref<819200x16xi32, #tpu.memory_space<hbm>> -> memref<128x16xi32, #tpu.memory_space<hbm>>
        %dma_wait3A_48 = arith.constant 0 : i32
        %dma_wait3A_49 = tpu.memref_slice %arg6[%add3A_41, %dma_wait3A_48] : memref<819200x16xi32, #tpu.memory_space<hbm>> -> memref<128x16xi32, #tpu.memory_space<hbm>>
        tpu.wait_dma2 semaphore(%run_scoped3A : memref<!tpu.dma_semaphore, #tpu.memory_space<semaphore_mem>>) src(%arg11 : memref<128x16xi32, #tpu.memory_space<vmem>>) dst(%dma_wait3A_49 : memref<128x16xi32, #tpu.memory_space<hbm>>)
        tpu.yield
      }) : () -> ()
    }
    %scan3A_16 = arith.constant 200 : i32
    return
  }
}

</mosaic_0001>

<sc_bundles>
// kernel: kernel.3.cloned.1.call-start
scs
__scs_entry_jumppad:
0x0: {  	(pc) =	sbr.rel $0x88, $3  }
0x1: {  	(tag) =	ssettag $0x0;
	lr =	simm.s32 $0x1  }
0x2: {  	[smem:$0x3F9E] =	sst lr;
	_ =	strace $0xD0000000  }
0x3: {  	_ = 	snop  }
0x4: {  	_ = 	snop  }
0x5: {  	_ = 	snop  }
0x6: {  	_ = 	snop  }
0x7: {  	_ = 	snop  }
__scs_overlays_trampoline_lowered:
0x8: {  	[smem:$0x3FAD] =	sst s0  }
0x9: {  	[smem:$0x3FAE] =	sst s1  }
0xa: {  	[smem:$0x3FAF] =	sst s2  }
0xb: {  	[smem:$0x3FB0] =	sst s3  }
0xc: {  	[smem:$0x3FB1] =	sst s4  }
0xd: {  	[smem:$0x3FB2] =	sst s5  }
0xe: {  	[smem:$0x3FB3] =	sst s6  }
0xf: {  	[smem:$0x3FB4] =	sst s7  }
0x10: {  	[smem:$0x3FB5] =	sst s8  }
0x11: {  	[smem:$0x3FB6] =	sst s9;
	s0 =	simm.s32 @!p0 $0x0  }
0x12: {  	s1 =	sld [smem:$0x3F9C];
	s0 =	simm.s32 @p0 $0x1  }
0x13: {  	[smem:$0x3FB7] =	sst s0;
	s0 =	simm.s32 @!p1 $0x0  }
0x14: {  	s2 =	sld [smem:$0x3F9B];
	s0 =	simm.s32 @p1 $0x1  }
0x15: {  	[smem:$0x3FB8] =	sst s0;
	s0 =	simm.s32 @!p2 $0x0  }
0x16: {  	s3 =	sld [smem:$0x3FDB];
	s0 =	simm.s32 @p2 $0x1  }
0x17: {  	s4 =	simm.s32 $0x1BF5;
	[smem:$0x3FBA] =	sst s0  }
0x18: {  	s0 =	sld [smem:$0x3F9D];
	_ =	swait.ge [sflag:s4], $0x0  }
0x19: {  	s7 =	sld [smem:$0x3F9E]  }
0x1a: {  	s8 =	sadd.s32 $0xFFFFE003, lr  }
0x1b: {  	s9 =	sadd.s32 $0xFFFFFEF7, lr;
	s5 =	simm.s32 $0xFFFFFFFF;
	p2 =	slt.u32 s8, $0xFFFFF086  }
0x1c: {  	p1 =	slt.u32 s9, $0xF7A;
	s5 =	simm.s32 @!p2 $0x0  }
0x1d: {  	s5 =	simm.s32 @p1 $0x1;
	p0 =	seq.s32 s7, s2  }
0x1e: {  	s7 =	smul.u32 @!p0 $0xF7A, s2;
	p2 =	seq.s32 @!p0 s5, $0x0  }
0x1f: {  	s9 =	smul.u32 $0xF7A, s1;
	s8 =	simm.s32 @!p0 $0x1BF5;
	p2 =	por !p2, p0  }
0x20: {  	[sflag:s8] =	ssyncset.s32 @!p0 $0xFFFFF086;
	s6 =	sadd.s32 @!p0 s3, s7;
	s7 =	simm.s32 @!p0 $0x108  }
0x21: {  	s3 =	sadd.s32 s3, s9;
	s6 =	sadd.s32 @!p0 $0x88, s6;
	s7 =	simm.s32 @p2 $0x1082  }
0x22: {  	[simem:s7], [sflag:s8] =	dma.local @!p0 [hbm:s6], $0xF7A  }
0x23: {  	s9 =	sor.u32 $0xD0000000, s2;
	s6 =	simm.s32 $0x108;
	_ =	swait.ge @!p0 [sflag:s8], $0x0  }
0x24: {  	s3 =	sadd.s32 $0x88, s3;
	s6 =	simm.s32 @!p1 $0x1082;
	[sflag:s4] =	ssyncset.s32 $0xFFFFF086  }
0x25: {  	[simem:s6], [sflag:s4] =	dma.local [hbm:s3], $0xF7A  }
0x26: {  	[smem:$0x3F9E] =	sst s1;
	(tag) =	ssettag s2;
	_ =	strace s9  }
0x27: {  	s1 =	sld [smem:$0x3FAE]  }
0x28: {  	s2 =	sld [smem:$0x3FAF]  }
0x29: {  	s4 =	sld [smem:$0x3FB1]  }
0x2a: {  	p0 =	seq.s32 s5, $0x0;
	s5 =	sld [smem:$0x3FB2]  }
0x2b: {  	s6 =	sld [smem:$0x3FB3]  }
0x2c: {  	s7 =	sld [smem:$0x3FB4]  }
0x2d: {  	s3 =	simm.s32 $0x108;
	s8 =	sld [smem:$0x3FB5]  }
0x2e: {  	s3 =	simm.s32 @!p0 $0x1082;
	s9 =	sld [smem:$0x3FB6]  }
0x2f: {  	lr =	sadd.s32 s0, s3;
	s0 =	sld [smem:$0x3FAD]  }
0x30: {  	s3 =	sld [smem:$0x3FB0]  }
0x31: {  	[smem:$0x3FB9] =	sst s10  }
0x32: {  	s10 =	sld [smem:$0x3FB7];
	_ =	sdelay $0x3  }
0x33: {  	p0 =	seq.s32 s10, $0x1;
	s10 =	sld [smem:$0x3FB9];
	_ =	sdelay $0x3  }
0x34: {  	[smem:$0x3FB9] =	sst s10  }
0x35: {  	s10 =	sld [smem:$0x3FB8];
	_ =	sdelay $0x3  }
0x36: {  	p1 =	seq.s32 s10, $0x1;
	s10 =	sld [smem:$0x3FB9];
	_ =	sdelay $0x3  }
0x37: {  	[smem:$0x3FB9] =	sst s10  }
0x38: {  	s10 =	sld [smem:$0x3FBA]  }
0x39: {  	_ = 	snop;
	(pc) =	sbr.ind lr, $3  }
0x3a: {  	_ = 	snop  }
0x3b: {  	_ = 	snop  }
0x3c: {  	p2 =	seq.s32 s10, $0x1;
	s10 =	sld [smem:$0x3FB9]  }
0x3d: {  	_ =	shalt  }
0x3e: {  	_ =	shalt  }
0x3f: {  	_ =	shalt  }
0x40: {  	_ =	shalt  }
0x41: {  	_ =	shalt  }
0x42: {  	_ =	shalt  }
0x43: {  	_ =	shalt  }
0x44: {  	_ =	shalt  }
0x45: {  	_ =	shalt  }
0x46: {  	_ =	shalt  }
0x47: {  	_ =	shalt  }
0x48: {  	_ =	shalt  }
0x49: {  	_ =	shalt  }
0x4a: {  	_ =	shalt  }
0x4b: {  	_ =	shalt  }
0x4c: {  	_ =	shalt  }
0x4d: {  	_ =	shalt  }
0x4e: {  	_ =	shalt  }
0x4f: {  	_ =	shalt  }
0x50: {  	_ =	shalt  }
0x51: {  	_ =	shalt  }
0x52: {  	_ =	shalt  }
0x53: {  	_ =	shalt  }
0x54: {  	_ =	shalt  }
0x55: {  	_ =	shalt  }
0x56: {  	_ =	shalt  }
0x57: {  	_ =	shalt  }
0x58: {  	_ =	shalt  }
0x59: {  	_ =	shalt  }
0x5a: {  	_ =	shalt  }
0x5b: {  	_ =	shalt  }
0x5c: {  	_ =	shalt  }
0x5d: {  	_ =	shalt  }
0x5e: {  	_ =	shalt  }
0x5f: {  	_ =	shalt  }
0x60: {  	_ =	shalt  }
0x61: {  	_ =	shalt  }
0x62: {  	_ =	shalt  }
0x63: {  	_ =	shalt  }
0x64: {  	_ =	shalt  }
0x65: {  	_ =	shalt  }
0x66: {  	_ =	shalt  }
0x67: {  	_ =	shalt  }
0x68: {  	_ =	shalt  }
0x69: {  	_ =	shalt  }
0x6a: {  	_ =	shalt  }
0x6b: {  	_ =	shalt  }
0x6c: {  	_ =	shalt  }
0x6d: {  	_ =	shalt  }
0x6e: {  	_ =	shalt  }
0x6f: {  	_ =	shalt  }
0x70: {  	_ =	shalt  }
0x71: {  	_ =	shalt  }
0x72: {  	_ =	shalt  }
0x73: {  	_ =	shalt  }
0x74: {  	_ =	shalt  }
0x75: {  	_ =	shalt  }
0x76: {  	_ =	shalt  }
0x77: {  	_ =	shalt  }
0x78: {  	_ =	shalt  }
0x79: {  	_ =	shalt  }
0x7a: {  	_ =	shalt  }
0x7b: {  	_ =	shalt  }
0x7c: {  	_ =	shalt  }
0x7d: {  	_ =	shalt  }
0x7e: {  	_ =	shalt  }
0x7f: {  	_ =	shalt  }
0x80: {  	_ =	shalt  }
0x81: {  	_ =	shalt  }
0x82: {  	_ =	shalt  }
0x83: {  	_ =	shalt  }
0x84: {  	_ =	shalt  }
0x85: {  	_ =	shalt  }
0x86: {  	_ =	shalt  }
0x87: {  	_ =	shalt  }
.Lfunc_end0:
.L_simem_size_0:
called_computation.2_lowered:
.L_overlay_start_0:
0x88: {  	s2 =	sld [smem:$0x3FD9]  }
0x89: {  	s3 =	sld [smem:$0x3FFE];
	_ =	sdelay $0x1  }
0x8a: {  	s1 =	srdreg.scid  }
0x8b: {  	s0 =	sand.u32 $0x1, s1  }
0x8c: {  	s14 =	sshll.u32 s0, $0xA;
	s2 =	sadd.s32 s3, s2  }
0x8d: {  	s2 =	sadd.s32 s2, s14  }
0x8e: {  	[smem:$0x3FC5] =	sst s2  }
0x8f: {  	_ = 	snop  }
0x90: {  	s2 =	sld [smem:$0x3FD0];
	_ =	sdelay $0x2  }
0x91: {  	s15 =	simm.s32 $0xB;
	s4 =	simm.s32 $0x10  }
0x92: {  	[smem:s4], [sflag:s15] =	dma.local [hbm:s2], $0x1  }
0x93: {  	_ =	swait.eq [sflag:s15], $0x1  }
0x94: {  	[sflag:s15] =	ssyncset.done $0x0  }
0x95: {  	s16 =	sld [smem:$0x10];
	[sflag:s15] =	ssyncadd.s32 $0xFFFFFFFF  }
0x96: {  	s17 =	sld [smem:$0x11];
	(tm) =	ssettm $0x1  }
0x97: {  	s18 =	sld [smem:$0x3FFB];
	_ =	sdelay $0x3  }
0x98: {  	_ =	strace s18  }
0x99: {  	s4 =	sld [smem:$0x3FFC];
	_ =	sdelay $0x3  }
0x9a: {  	_ =	strace s4  }
0x9b: {  	s4 =	sld [smem:$0x3FFD];
	_ =	sdelay $0x3  }
0x9c: {  	_ =	strace s4  }
0x9d: {  	_ =	strace $0x8FFFFFFF  }
0x9e: {  	s19 =	sld [smem:$0x3FDB];
	_ =	sdelay $0x1  }
0x9f: {  	s5 =	simm.s32 $_scs_section_size  }
0xa0: {  	s6 =	simm.s32 $_size__tile_overlayer_lowered;
	s7 =	simm.s32 $_tile_overlayer_lowered  }
0xa1: {  	s22 =	simm.s32 $0x1BFF;
	s21 =	sshll.u32 s7, $0x1;
	s4 =	sadd.s32 s5, s19  }
0xa2: {  	s8 =	simm.s32 $0x0;
	s20 =	sshll.u32 s6, $0x1;
	s6 =	sadd.s32 s21, s4  }
0xa3: {  	[timem:s8], [sflag:s22] =	dma.local [hbm:s6], s20  }
0xa4: {  	_ =	swait.ge [sflag:s22], s20  }
0xa5: {  	s5 =	ssub.s32 $0x0, s20;
	[sflag:s22] =	ssyncset.done $0x0  }
0xa6: {  	[sflag:s22] =	ssyncadd.s32 s5;
	_ =	sdelay $0x1  }
0xa7: {  	s23 =	simm.s32 $0x1B8B  }
0xa8: {  	_ =	swait.ge [sflag:s23], $0x1  }
0xa9: {  	[sflag:s23] =	ssyncset.done $0x0  }
0xaa: {  	s25 =	simm.s32 $0x1B8E;
	s24 =	sld [smem:$0x3FFE];
	[sflag:s23] =	ssyncadd.s32 $0xFFFFFFFF  }
0xab: {  	s26 =	simm.s32 $execute0_lowered;
	[smem:$0x3FD2] =	sst s25  }
0xac: {  	s6 =	sshll.u32 s26, $0x1;
	_ =	strace $0x80000046;
	[dreg:$0x1] =	wrdreg $0xFFFFFFFF  }
0xad: {  	s28 =	simm.s32 $_size_execute0_lowered;
	s4 =	sadd.s32 s4, s6;
	[dreg:$0x0] =	wrdreg $0x0  }
0xae: {  	s6 =	sshll.u32 s28, $0x1;
	[dreg:$0x2] =	wrdreg s4  }
0xaf: {  	[dreg:$0x3] =	wrdreg s6  }
0xb0: {  	[dreg:$0x4] =	wrdreg $0xC0  }
0xb1: {  	_ =	task [dreg:s8], $0x5FFFF  }
0xb2: {  	[dreg:$0x1] =	wrdreg $0xFFFFFFFF  }
0xb3: {  	[dreg:$0x0] =	wrdreg $0x60  }
0xb4: {  	[dreg:$0x2] =	wrdreg s24  }
0xb5: {  	[dreg:$0x3] =	wrdreg s17  }
0xb6: {  	[dreg:$0x4] =	wrdreg s16  }
0xb7: {  	[dreg:$0x5] =	wrdreg $0x9  }
0xb8: {  	_ =	task.clear_ibuf [dreg:s8], $0x6FFFF;
	_ =	strace $0x90000046  }
0xb9: {  	s29 =	simm.s32 $0x9;
	_ =	strace $0x80000048  }
0xba: {  	_ =	swait.ge [sflag:s29], $0x1  }
0xbb: {  	[sflag:s29] =	ssyncadd.s32 $0xFFFFFFFF  }
0xbc: {  	_ =	strace $0x90000048  }
0xbd: {  	_ =	sfence  }
0xbe: {  	s30 =	sld [smem:$0x0];
	_ =	sdelay $0x2  }
0xbf: {  	s31 =	sshll.u32 s1, $0xD;
	s1 =	sshrl.u32 s1, $0x2  }
0xc0: {  	s3 =	sand.u32 $0x4000, s31;
	s1 =	sadd.s32 s1, s30  }
0xc1: {  	s0 =	sor.u32 s3, s0;
	s1 =	sshll.u32 s1, $0x11  }
0xc2: {  	s0 =	sor.u32 s1, s0  }
0xc3: {  	s0 =	sadd.s32 $0x8F2B, s0  }
0xc4: {  	[sflag:s0] =	ssyncadd.remote.s32 $0x1  }
0xc5: {  	_ =	sfence.sel $0xFFFF  }
0xc6: {  	[dreg:$0x0] =	wrdreg $0xFFFFFFFF;
	(pc) =	sbr.abs _section_cstart, $3  }
0xc7: {  	[dreg:$0x1] =	wrdreg $0xFFFFFFFF  }
0xc8: {  	_ =	task.clear_ibuf [dreg:s8], $0x2FFFF;
	_ =	strace $0x9FFFFFFF  }
0xc9: {  	(tm) =	ssettm $0x7FFFFFFF  }
tec
execute0_lowered:
.L_overlay_start_1:
0x0: {  	(tag) =	ssettag $0x1  }
0x1: {  	s7 =	rddreg [dreg:$0x0]  }
0x2: {  	s1 =	srdreg.scid;
	s2 =	rddreg [dreg:$0x1]  }
0x3: {  	s0 =	stileid.u32;
	s3 =	rddreg [dreg:$0x2];
	s4 =	simm.s32 $0x0  }
0x4: {  	s11 =	simm.s32 $0x80;
	s12 =	simm.s32 $0x6400;
	s13 =	simm.s32 $0x1  }
0x5: {  	s14 =	simm.s32 $0x7400;
	s6 =	sand.u32 $0x1, s1;
	s31 =	sshll.u32 s0, $0x1  }
0x6: {  	s15 =	simm.s32 $0x8400;
	s16 =	simm.s32 $0x8C00;
	s5 =	sor.u32 s6, s31  }
0x7: {  	s17 =	simm.s32 $0x0;
	[smem:$0x7FF] =	sst s4;
	s5 =	smul.u32 $0x6400, s5  }
0x8: {  	v0 =	vlaneseq.u32;
	s1 =	rddreg [dreg:$0x3];
	_ =	strace $0x80000047;
	s9 =	ssub.s32 $0x2, s6  }
0x9: {  	v0 =	vmul.u32 $0x2, v0;
	s6 =	sadd.s32 $0x1314400, s7;
	s10 =	sshrl.u32 s9, $0x1;
	s8 =	sshrl.u32 s5, $0x3  }
0xa: {  	s9 =	ssub.s32 s9, s10;
	s10 =	simm.s32 $0x2;
	s8 =	sadd.s32 s8, s7  }
0xb: {  	v1 =	vor.u32 $0x1, v0;
	s9 =	smax.u32 s9, $0x1;
	s7 =	sadd.s32 $0xF43A00, s7;
	s8 =	sadd.s32 $0x1600, s8  }
.LBB2_1:
0xc: {  	[tilespmem:s4], [sflag:$0x2] =	stream.linear.gather [hbm4b:s8+s4], $0x6400, $0x38;
	[tilespmem:$0x9400] =	vst v63  }
0xd: {  	_ =	swait.ge [sflag:s10], $0x6400  }
0xe: {  	[sflag:s10] =	ssyncset.done $0x0  }
0xf: {  	s18 =	simm.s32 $0x0;
	[sflag:s10] =	ssyncadd.s32 $0xFFFF9C00  }
.LBB2_2:
0x10: {  	s19 =	sshll.u32 s18, $0x7  }
0x11: {  	[tilespmem:s12], [sflag:$0x1] =	stream.indirect.gather [hbm4b:s6+s11], $0x20, s19, s11, $0xb8;
	[tilespmem:$0x9400] =	vst v63  }
0x12: {  	_ =	swait.ge [sflag:s13], $0x1000  }
0x13: {  	s20 =	simm.s32 $0x0;
	[sflag:s13] =	ssyncset.done $0x0  }
0x14: {  	v2 =	vor.u32 s20, v0;
	[sflag:s13] =	ssyncadd.s32 $0xFFFFF000  }
0x15: {  	v3 =	vor.u32 s20, v1;
	[tilespmem:s14], [sflag:$0x1] =	stream.indirect.gather [hbm4b:s7+s11], $0x20, s19, s11, $0xb8;
	[tilespmem:$0x9400] =	vst v63  }
0x16: {  	_ =	swait.ge [sflag:s13], $0x1000  }
0x17: {  	[sflag:s13] =	ssyncset.done $0x0  }
0x18: {  	[sflag:s13] =	ssyncadd.s32 $0xFFFFF000  }
0x19: {  	v4 =	vld.idx.msk [tilespmem:v2+s12+$0x0], $0xffff  }
0x1a: {  	v5 =	vld.idx.msk [tilespmem:v3+s12+$0x0], $0xffff;
	_ =	sdelay $0x4  }
0x1b: {  	v4 =	vadd.s32 $0x8000, v4;
	v5 =	vadd.s32 $0x8000, v5  }
0x1c: {  	v4 =	vshrl.u32 v4, $0x10;
	v5 =	vand.u32 $0xFFFF0000, v5  }
0x1d: {  	s20 =	simm.s32 $0x8410;
	v4 =	vor.u32 v4, v5  }
0x1e: {  	[tilespmem:s20+$0xFFFFFFF0] =	vst v4  }
0x1f: {  	v2 =	vld.idx.msk [tilespmem:v2+s14+$0x0], $0xffff  }
0x20: {  	v3 =	vld.idx.msk [tilespmem:v3+s14+$0x0], $0xffff;
	_ =	sdelay $0x2  }
0x21: {  	s21 =	simm.s32 $0x20  }
0x22: {  	v4 =	vor.u32 s21, v0  }
0x23: {  	v5 =	vor.u32 s21, v1;
	v2 =	vadd.s32 $0x8000, v2;
	v3 =	vadd.s32 $0x8000, v3  }
0x24: {  	v2 =	vshrl.u32 v2, $0x10;
	v3 =	vand.u32 $0xFFFF0000, v3  }
0x25: {  	s21 =	simm.s32 $0x8C10;
	v2 =	vor.u32 v2, v3  }
0x26: {  	[tilespmem:s21+$0xFFFFFFF0] =	vst v2  }
0x27: {  	v2 =	vld.idx.msk [tilespmem:v4+s12+$0x0], $0xffff  }
0x28: {  	v3 =	vld.idx.msk [tilespmem:v5+s12+$0x0], $0xffff;
	_ =	sdelay $0x4  }
0x29: {  	v2 =	vadd.s32 $0x8000, v2;
	v3 =	vadd.s32 $0x8000, v3  }
0x2a: {  	v2 =	vshrl.u32 v2, $0x10;
	v3 =	vand.u32 $0xFFFF0000, v3  }
0x2b: {  	v2 =	vor.u32 v2, v3  }
0x2c: {  	[tilespmem:s20+$0x0] =	vst v2  }
0x2d: {  	v3 =	vld.idx.msk [tilespmem:v4+s14+$0x0], $0xffff  }
0x2e: {  	v2 =	vld.idx.msk [tilespmem:v5+s14+$0x0], $0xffff;
	_ =	sdelay $0x1  }
0x2f: {  	s26 =	simm.s32 $0x4;
	s25 =	simm.s32 $0x40;
	s22 =	simm.s32 $0x8C10  }
.LBB2_3:
0x30: {  	s20 =	sadd.s32 $0x20, s20  }
0x31: {  	v4 =	vor.u32 s25, v0;
	v5 =	vor.u32 s25, v1;
	v3 =	vadd.s32 $0x8000, v3;
	s21 =	sadd.s32 $0x20, s21;
	s23 =	smov.u32 s26;
	s24 =	sadd.s32 $0x2, s26  }
0x32: {  	p0 =	slt.u32 s26, $0x7E;
	v2 =	vadd.s32 $0x8000, v2;
	v3 =	vshrl.u32 v3, $0x10  }
0x33: {  	v2 =	vand.u32 $0xFFFF0000, v2  }
0x34: {  	v2 =	vor.u32 v3, v2  }
0x35: {  	[tilespmem:s22+$0x0] =	vst v2;
	s22 =	smov.u32 s21  }
0x36: {  	v2 =	vld.idx.msk [tilespmem:v4+s12+$0x0], $0xffff  }
0x37: {  	v3 =	vld.idx.msk [tilespmem:v5+s12+$0x0], $0xffff;
	_ =	sdelay $0x4  }
0x38: {  	v2 =	vadd.s32 $0x8000, v2  }
0x39: {  	v2 =	vshrl.u32 v2, $0x10;
	v3 =	vadd.s32 $0x8000, v3  }
0x3a: {  	v3 =	vand.u32 $0xFFFF0000, v3  }
0x3b: {  	v2 =	vor.u32 v2, v3  }
0x3c: {  	[tilespmem:s20+$0xFFFFFFF0] =	vst v2  }
0x3d: {  	v2 =	vld.idx.msk [tilespmem:v4+s14+$0x0], $0xffff  }
0x3e: {  	v3 =	vld.idx.msk [tilespmem:v5+s14+$0x0], $0xffff;
	_ =	sdelay $0x3  }
0x3f: {  	s25 =	sadd.s32 $0x20, s25  }
0x40: {  	v4 =	vor.u32 s25, v0;
	v2 =	vadd.s32 $0x8000, v2  }
0x41: {  	v5 =	vor.u32 s25, v1;
	v2 =	vshrl.u32 v2, $0x10;
	v3 =	vadd.s32 $0x8000, v3  }
0x42: {  	v3 =	vand.u32 $0xFFFF0000, v3  }
0x43: {  	v2 =	vor.u32 v2, v3  }
0x44: {  	[tilespmem:s21+$0xFFFFFFF0] =	vst v2  }
0x45: {  	v2 =	vld.idx.msk [tilespmem:v4+s12+$0x0], $0xffff  }
0x46: {  	v3 =	vld.idx.msk [tilespmem:v5+s12+$0x0], $0xffff;
	_ =	sdelay $0x4  }
0x47: {  	v2 =	vadd.s32 $0x8000, v2  }
0x48: {  	v2 =	vshrl.u32 v2, $0x10;
	v3 =	vadd.s32 $0x8000, v3  }
0x49: {  	v3 =	vand.u32 $0xFFFF0000, v3  }
0x4a: {  	v2 =	vor.u32 v2, v3  }
0x4b: {  	[tilespmem:s20+$0x0] =	vst v2  }
0x4c: {  	v3 =	vld.idx.msk [tilespmem:v4+s14+$0x0], $0xffff  }
.Ltmp0:
0x4d: {  	v2 =	vld.idx.msk [tilespmem:v5+s14+$0x0], $0xffff;
	(pc) =	sbr.rel @p0 .LBB2_3-.Ltmp0, $2  }
0x4e: {  	_ =	sdelay $0x2  }
0x4f: {  	s26 =	smov.u32 s24;
	s25 =	sshll.u32 s23, $0x5  }
0x50: {  	v4 =	vor.u32 s25, v0  }
0x51: {  	v5 =	vor.u32 s25, v1;
	v3 =	vadd.s32 $0x8000, v3;
	v2 =	vadd.s32 $0x8000, v2  }
0x52: {  	v3 =	vshrl.u32 v3, $0x10;
	v2 =	vand.u32 $0xFFFF0000, v2  }
0x53: {  	v2 =	vor.u32 v3, v2  }
0x54: {  	[tilespmem:s22+$0x0] =	vst v2  }
0x55: {  	v2 =	vld.idx.msk [tilespmem:v4+s12+$0x0], $0xffff  }
0x56: {  	v3 =	vld.idx.msk [tilespmem:v5+s12+$0x0], $0xffff;
	_ =	sdelay $0x4  }
0x57: {  	v2 =	vadd.s32 $0x8000, v2;
	v3 =	vadd.s32 $0x8000, v3  }
0x58: {  	v2 =	vshrl.u32 v2, $0x10;
	v3 =	vand.u32 $0xFFFF0000, v3  }
0x59: {  	s20 =	sadd.s32 $0x20, s20;
	v2 =	vor.u32 v2, v3  }
0x5a: {  	[tilespmem:s20+$0xFFFFFFF0] =	vst v2  }
0x5b: {  	v2 =	vld.idx.msk [tilespmem:v4+s14+$0x0], $0xffff  }
0x5c: {  	v3 =	vld.idx.msk [tilespmem:v5+s14+$0x0], $0xffff;
	_ =	sdelay $0x2  }
0x5d: {  	s30 =	sadd.s32 $0x20, s25  }
0x5e: {  	v62 =	vor.u32 s30, v0  }
0x5f: {  	v63 =	vor.u32 s30, v1;
	v2 =	vadd.s32 $0x8000, v2;
	v3 =	vadd.s32 $0x8000, v3  }
0x60: {  	v2 =	vshrl.u32 v2, $0x10;
	v3 =	vand.u32 $0xFFFF0000, v3  }
0x61: {  	s21 =	sadd.s32 $0x20, s21;
	v2 =	vor.u32 v2, v3  }
0x62: {  	[tilespmem:s21+$0xFFFFFFF0] =	vst v2  }
0x63: {  	v2 =	vld.idx.msk [tilespmem:v62+s12+$0x0], $0xffff  }
0x64: {  	v3 =	vld.idx.msk [tilespmem:v63+s12+$0x0], $0xffff;
	_ =	sdelay $0x4  }
0x65: {  	v2 =	vadd.s32 $0x8000, v2;
	v3 =	vadd.s32 $0x8000, v3  }
0x66: {  	v2 =	vshrl.u32 v2, $0x10;
	v3 =	vand.u32 $0xFFFF0000, v3  }
0x67: {  	v2 =	vor.u32 v2, v3  }
0x68: {  	[tilespmem:s20+$0x0] =	vst v2  }
0x69: {  	v2 =	vld.idx.msk [tilespmem:v62+s14+$0x0], $0xffff  }
0x6a: {  	v3 =	vld.idx.msk [tilespmem:v63+s14+$0x0], $0xffff;
	_ =	sdelay $0x4  }
0x6b: {  	v2 =	vadd.s32 $0x8000, v2;
	v3 =	vadd.s32 $0x8000, v3  }
0x6c: {  	s19 =	sadd.s32 s5, s19;
	v2 =	vshrl.u32 v2, $0x10;
	v3 =	vand.u32 $0xFFFF0000, v3  }
0x6d: {  	s19 =	sshll.u32 s19, $0x1;
	v2 =	vor.u32 v2, v3  }
0x6e: {  	s31 =	sadd.s32 s2, s19;
	[tilespmem:s21+$0x0] =	vst v2  }
0x6f: {  	[hbm4b:s31+s4] =	stream.linear.scatter [tilespmem:s15], [sflag:$0x2], $0x800, $0x38;
	[tilespmem:$0x9400] =	vst v63  }
0x70: {  	s18 =	sadd.s32 $0x1, s18;
	_ =	swait.ge [sflag:s10], $0x800  }
0x71: {  	p0 =	sne.s32 s18, $0xC8;
	[sflag:s10] =	ssyncset.done $0x0  }
.Ltmp1:
0x72: {  	s19 =	sadd.s32 s3, s19;
	[sflag:s10] =	ssyncadd.s32 $0xFFFFF800;
	(pc) =	sbr.rel @p0 .LBB2_2-.Ltmp1, $4  }
0x73: {  	[hbm4b:s19+s4] =	stream.linear.scatter [tilespmem:s16], [sflag:$0x2], $0x800, $0x38;
	[tilespmem:$0x9400] =	vst v63  }
0x74: {  	_ =	swait.ge [sflag:s10], $0x800  }
0x75: {  	[sflag:s10] =	ssyncset.done $0x0  }
0x76: {  	[sflag:s10] =	ssyncadd.s32 $0xFFFFF800  }
0x77: {  	s17 =	sadd.s32 $0x1, s17  }
0x78: {  	p0 =	sne.s32 s17, s9  }
.Ltmp2:
0x79: {  	_ = 	snop;
	(pc) =	sbr.rel @p0 .LBB2_1-.Ltmp2, $1  }
0x7a: {  	_ =	sdelay $0x3  }
0x7b: {  	_ =	sfence.sel $0x180000  }
0x7c: {  	[bflag:$0x0] =	sbarrier.arrive $0xFFFF  }
0x7d: {  	p0 =	sne.s32 s0, $0x0;
	_ =	strace $0x90000047  }
0x7e: {  	s0 =	sadd.s32 @!p0 $0x100000, s1;
	[bflag:$0x2] =	sbarrier.arrive $0xFFFF  }
0x7f: {  	[sflag:s0] =	ssyncadd.tile.s32 @!p0 $0x1;
	_ =	shalt  }
.Lfunc_end2:
_tile_overlayer_lowered:
.L_overlay_start_2:
0x80: {  	(tag) =	ssettag $0x2  }
0x81: {  	s0 =	rddreg [dreg:$0x0];
	s2 =	stileid.u32  }
0x82: {  	s1 =	rddreg [dreg:$0x1];
	p0 =	sne.s32 s2, $0x0  }
0x83: {  	s3 =	rddreg [dreg:$0x2];
	[bflag:$0x3] =	sbarrier.arrive $0xFFFF;
	s2 =	simm.s32 @!p0 $0x1C02  }
0x84: {  	[timem:s3], [sflag:s2] =	dma.local @!p0 [hbm:s0], s1  }
0x85: {  	s0 =	simm.s32 @!p0 $0x2  }
0x86: {  	_ =	swait.ge @!p0 [sflag:s0], s1  }
0x87: {  	s1 =	ssub.s32 @!p0 $0x0, s1;
	[sflag:s0] =	ssyncset.done @!p0 $0x0  }
0x88: {  	[sflag:s0] =	ssyncadd.s32 @!p0 s1  }
0x89: {  	[bflag:$0x3] =	sbarrier.arrive $0xFFFF  }
0x8a: {  	_ =	shalt  }

// kernel: sparse-core-data-format-call.1.cloned.1.call-start
scs
called_computation.1_lowered:
.L_overlay_start_0:
0x0: {  	s2 =	sld [smem:$0x3FD9]  }
0x1: {  	s3 =	sld [smem:$0x3FFE];
	_ =	sdelay $0x1  }
0x2: {  	s1 =	srdreg.scid  }
0x3: {  	s0 =	sand.u32 $0x1, s1  }
0x4: {  	s15 =	sshll.u32 s0, $0xA;
	s2 =	sadd.s32 s3, s2  }
0x5: {  	s2 =	sadd.s32 s2, s15  }
0x6: {  	[smem:$0x3FC5] =	sst s2  }
0x7: {  	_ = 	snop  }
0x8: {  	s2 =	sld [smem:$0x3FD0];
	_ =	sdelay $0x2  }
0x9: {  	s16 =	simm.s32 $0xB;
	s4 =	simm.s32 $0x10  }
0xa: {  	[smem:s4], [sflag:s16] =	dma.local [hbm:s2], $0x1  }
0xb: {  	_ =	swait.eq [sflag:s16], $0x1  }
0xc: {  	[sflag:s16] =	ssyncset.done $0x0  }
0xd: {  	[sflag:s16] =	ssyncadd.s32 $0xFFFFFFFF  }
0xe: {  	s17 =	sld [smem:$0x10];
	(tm) =	ssettm $0x1  }
0xf: {  	s18 =	sld [smem:$0x3FFB];
	_ =	sdelay $0x3  }
0x10: {  	_ =	strace s18  }
0x11: {  	s3 =	sld [smem:$0x3FFC];
	_ =	sdelay $0x3  }
0x12: {  	_ =	strace s3  }
0x13: {  	s3 =	sld [smem:$0x3FFD];
	_ =	sdelay $0x3  }
0x14: {  	_ =	strace s3  }
0x15: {  	_ =	strace $0x8FFFFFFF  }
0x16: {  	s19 =	sld [smem:$0x3FDB];
	_ =	sdelay $0x1  }
0x17: {  	s20 =	simm.s32 $_scs_section_size  }
0x18: {  	s5 =	simm.s32 $_size__tile_overlayer_lowered;
	s6 =	simm.s32 $_tile_overlayer_lowered  }
0x19: {  	s23 =	simm.s32 $0x1BFF;
	s22 =	sshll.u32 s6, $0x1;
	s3 =	sadd.s32 s20, s19  }
0x1a: {  	s7 =	simm.s32 $0x0;
	s21 =	sshll.u32 s5, $0x1;
	s5 =	sadd.s32 s22, s3  }
0x1b: {  	[timem:s7], [sflag:s23] =	dma.local [hbm:s5], s21  }
0x1c: {  	_ =	swait.ge [sflag:s23], s21  }
0x1d: {  	s4 =	ssub.s32 $0x0, s21;
	[sflag:s23] =	ssyncset.done $0x0  }
0x1e: {  	[sflag:s23] =	ssyncadd.s32 s4;
	_ =	sdelay $0x1  }
0x1f: {  	s24 =	simm.s32 $0x1B8B  }
0x20: {  	_ =	swait.ge [sflag:s24], $0x1  }
0x21: {  	[sflag:s24] =	ssyncset.done $0x0  }
0x22: {  	s26 =	simm.s32 $0x1B8E;
	s25 =	sld [smem:$0x3FFE];
	[sflag:s24] =	ssyncadd.s32 $0xFFFFFFFF  }
0x23: {  	s27 =	simm.s32 $execute0_lowered;
	[smem:$0x3FD2] =	sst s26  }
0x24: {  	s5 =	sshll.u32 s27, $0x1;
	_ =	strace $0x80000049;
	[dreg:$0x1] =	wrdreg $0xFFFFFFFF  }
0x25: {  	s28 =	simm.s32 $_size_execute0_lowered;
	s3 =	sadd.s32 s3, s5;
	[dreg:$0x0] =	wrdreg $0x0  }
0x26: {  	s5 =	sshll.u32 s28, $0x1;
	[dreg:$0x2] =	wrdreg s3  }
0x27: {  	[dreg:$0x3] =	wrdreg s5  }
0x28: {  	[dreg:$0x4] =	wrdreg $0xC0  }
0x29: {  	_ =	task [dreg:s7], $0x5FFFF  }
0x2a: {  	[dreg:$0x1] =	wrdreg $0xFFFFFFFF  }
0x2b: {  	[dreg:$0x0] =	wrdreg $0x60  }
0x2c: {  	[dreg:$0x2] =	wrdreg s25  }
0x2d: {  	[dreg:$0x3] =	wrdreg s17  }
0x2e: {  	[dreg:$0x4] =	wrdreg $0xA  }
0x2f: {  	_ =	task.clear_ibuf [dreg:s7], $0x5FFFF;
	_ =	strace $0x90000049  }
0x30: {  	s29 =	simm.s32 $0xA;
	_ =	strace $0x8000004B  }
0x31: {  	_ =	swait.ge [sflag:s29], $0x1  }
0x32: {  	[sflag:s29] =	ssyncadd.s32 $0xFFFFFFFF  }
0x33: {  	_ =	strace $0x9000004B  }
0x34: {  	_ =	sfence  }
0x35: {  	s30 =	sld [smem:$0x0];
	_ =	sdelay $0x2  }
0x36: {  	s31 =	sshll.u32 s1, $0xD;
	s1 =	sshrl.u32 s1, $0x2  }
0x37: {  	s3 =	sand.u32 $0x4000, s31;
	s1 =	sadd.s32 s1, s30  }
0x38: {  	s0 =	sor.u32 s3, s0;
	s1 =	sshll.u32 s1, $0x11  }
0x39: {  	s0 =	sor.u32 s1, s0  }
0x3a: {  	s0 =	sadd.s32 $0x8F2B, s0  }
0x3b: {  	[sflag:s0] =	ssyncadd.remote.s32 $0x1  }
0x3c: {  	_ =	sfence.sel $0xFFFF  }
0x3d: {  	[dreg:$0x0] =	wrdreg $0xFFFFFFFF;
	(pc) =	sbr.abs _section_cstart, $3  }
0x3e: {  	[dreg:$0x1] =	wrdreg $0xFFFFFFFF  }
0x3f: {  	_ =	task.clear_ibuf [dreg:s7], $0x2FFFF;
	_ =	strace $0x9FFFFFFF  }
0x40: {  	(tm) =	ssettm $0x7FFFFFFF  }
0x41: {  	_ =	shalt  }
tec
execute0_lowered:
.L_overlay_start_1:
0x0: {  	(tag) =	ssettag $0x1  }
0x1: {  	s0 =	srdreg.scid  }
0x2: {  	s1 =	sshll.u32 s0, $0x4  }
0x3: {  	s4 =	rddreg [dreg:$0x0];
	s0 =	stileid.u32;
	s1 =	sand.u32 $0x10, s1  }
0x4: {  	s2 =	rddreg [dreg:$0x1];
	s7 =	simm.s32 $0x1;
	s1 =	sor.u32 s0, s1  }
0x5: {  	s8 =	simm.s32 $0x2;
	s11 =	simm.s32 $0x0;
	s3 =	sshll.u32 s1, $0x7  }
0x6: {  	s10 =	simm.s32 $0x0;
	s4 =	sadd.s32 $0xC81600, s4;
	s6 =	ssub.s32 $0xC8000, s3  }
.Ltmp0:
0x7: {  	s1 =	rddreg [dreg:$0x2];
	s5 =	sand.u32 $0xF80, s6;
	(pc) =	sbr.rel .LBB1_1-.Ltmp0, $4  }
0x8: {  	_ =	strace $0x8000004A;
	s9 =	smov.u32 s3;
	p0 =	sne.s32 s5, $0x0  }
0x9: {  	s6 =	sshrl.u32 s6, $0xC;
	s5 =	simm.s32 $0x1;
	s7 =	simm.s32 @!p0 $0x0  }
0xa: {  	[sflag:s5] =	ssyncpa.u1 $0x0;
	p0 =	por $0x0, $0x0;
	s6 =	sadd.s32 s7, s6  }
0xb: {  	[sflag:s8] =	ssyncpa.u1 $0x0;
	s8 =	simm.s32 $0x640000;
	s7 =	sadd.s32 $0x1, s6  }
.LBB1_4:
0xc: {  	s14 =	sshll.u32 s11, $0x3  }
0xd: {  	s30 =	sand.u32 $0x7F, s11;
	s15 =	sand.u32 $0xFFFFFC00, s14  }
0xe: {  	s11 =	sor.u32 s30, s15  }
0xf: {  	s15 =	smulhi.u32 $0x51EB851F, s11  }
0x10: {  	s14 =	smulhi.u32 $0x51EB851F, s14  }
0x11: {  	s15 =	sshrl.u32 s15, $0x12  }
0x12: {  	s14 =	sshrl.u32 s14, $0x12;
	s15 =	smul.u32 $0xC8000, s15  }
0x13: {  	[tilespmem:s12+$0xFFFFFFFC ss:$0x81] =	vst.msk $0xffff, v1;
	s14 =	sand.u32 $0xF, s14  }
0x14: {  	[tilespmem:s12+$0xFFFFFFFD ss:$0x81] =	vst.msk $0xffff, v2;
	s14 =	smul.u32 $0x19000, s14;
	s11 =	ssub.s32 s11, s15  }
0x15: {  	[tilespmem:s12+$0xFFFFFFFE ss:$0x81] =	vst.msk $0xffff, v0;
	s15 =	sand.u32 $0x7, s11  }
0x16: {  	[tilespmem:s12+$0xFFFFFFFF ss:$0x81] =	vst.msk $0xffff, v4;
	s14 =	sadd.s32 s2, s14;
	s11 =	sshrl.u32 s11, $0x3;
	s15 =	sshll.u32 s15, $0x12  }
0x17: {  	[tilespmem:s12+$0xFFFFFFF9 ss:$0x81] =	vst.msk $0xffff, v3;
	s11 =	sadd.s32 s11, s14;
	s31 =	sor.u32 $0x400, s15  }
0x18: {  	[hbm4b:s11+s31] =	stream.strided.scatter [tilespmem:s13], [sflag:$0x2], $0x800, s8, s31, $0x20;
	[tilespmem:$0x2020] =	vst v63  }
.LBB1_5:
0x19: {  	s13 =	sadd.s32 $0x1000, s9  }
0x1a: {  	p2 =	sgt.s32 s13, $0xC7FFF  }
0x1b: {  	s13 =	smov.u32 @p2 s3;
	p2 =	sne.s32 s10, s7  }
.Ltmp1:
0x1c: {  	p1 =	slt.u32 s10, $0x2;
	(pc) =	sbr.rel @!p2 .LBB1_6-.Ltmp1, $4  }
0x1d: {  	s12 =	simm.s32 @!p1 $0x2  }
0x1e: {  	s14 =	sadd.s32 $0x1, s10;
	_ =	swait.ge @!p1 [sflag:s12], $0x800  }
0x1f: {  	s11 =	smov.u32 s9;
	p0 =	por !p0, !p0;
	[sflag:s12] =	ssyncset.done @!p1 $0x0  }
0x20: {  	s10 =	smov.u32 s14;
	s9 =	smov.u32 s13;
	[sflag:s12] =	ssyncadd.s32 @!p1 $0xFFFFF800  }
.LBB1_1:
0x21: {  	p1 =	sge.u32 s10, s6  }
0x22: {  	s12 =	sand.u32 @!p1 $0x1FFFFFF, s9  }
0x23: {  	s13 =	smulhi.u32 @!p1 $0x147AE15, s12;
	_ =	sdelay $0x1  }
0x24: {  	s13 =	sshrl.u32 @!p1 s13, $0xC  }
0x25: {  	s13 =	smul.u32 @!p1 $0xC8000, s13;
	_ =	sdelay $0x1  }
0x26: {  	s31 =	sadd.s32 $0xFFFFFFFF, s10;
	s14 =	sxor.u32 @!p1 $0xFFFFFFFF, s10;
	s12 =	ssub.s32 @!p1 s12, s13  }
0x27: {  	s15 =	simm.s32 @!p1 $0x80;
	s14 =	sshll.u32 @!p1 s14, $0xB;
	s12 =	sshll.u32 @!p1 s12, $0x4  }
0x28: {  	s13 =	sand.u32 @!p1 $0x800, s14;
	s14 =	simm.s32 @!p1 $0x10;
	s12 =	sadd.s32 @!p1 s4, s12  }
0x29: {  	[tilespmem:s13], [sflag:$0x1] =	stream.strided.gather @!p1 [hbm4b:s12+s14], $0x800, s15, s14, $0x38;
	[tilespmem:$0x2020] =	vst v63  }
0x2a: {  	p1 =	sge.u32 s31, s6  }
.Ltmp2:
0x2b: {  	_ = 	snop;
	(pc) =	sbr.rel @p1 .LBB1_5-.Ltmp2, $1  }
0x2c: {  	_ =	sdelay $0x3  }
0x2d: {  	s12 =	simm.s32 $0x1  }
0x2e: {  	_ =	swait.ge [sflag:s5], $0x800;
	s12 =	simm.s32 @!p0 $0x0  }
0x2f: {  	[sflag:s5] =	ssyncset.done $0x0;
	s13 =	sshll.u32 s12, $0xB  }
0x30: {  	[sflag:s5] =	ssyncadd.s32 $0xFFFFF800;
	s15 =	sor.u32 $0x40, s13  }
0x31: {  	v3 =	vld [tilespmem:s15+$0x30]  }
0x32: {  	s12 =	smul.u32 $0x2040, s12;
	v4 =	vld [tilespmem:s15+$0xFFFFFFD0]  }
0x33: {  	v5 =	vld [tilespmem:s15+$0xFFFFFFE0]  }
0x34: {  	s31 =	sand.u32 $0x1, s10;
	s12 =	sshrl.u32 s12, $0x2;
	v1 =	vld [tilespmem:s15+$0xFFFFFFF0]  }
0x35: {  	s13 =	smul.u32 $0x2040, s31;
	v2 =	vld [tilespmem:s15+$0x0];
	s12 =	sor.u32 $0x1007, s12  }
0x36: {  	v0 =	vld [tilespmem:s15+$0x10];
	[tilespmem:s12+$0x0 ss:$0x81] =	vst.msk $0xffff, v3  }
0x37: {  	s13 =	sshrl.u32 s13, $0x2;
	[tilespmem:s12+$0xFFFFFFFA ss:$0x81] =	vst.msk $0xffff, v4;
	v4 =	vld [tilespmem:s15+$0x20]  }
0x38: {  	s14 =	simm.s32 $0x0;
	s13 =	sor.u32 $0x1000, s13;
	v3 =	vld [tilespmem:s15+$0xFFFFFFC0];
	[tilespmem:s12+$0xFFFFFFFB ss:$0x81] =	vst.msk $0xffff, v5;
	s15 =	sadd.s32 $0x80, s15  }
.LBB1_3:
0x39: {  	v5 =	vld [tilespmem:s15+$0x30];
	s14 =	sadd.s32 $0x8, s14;
	[tilespmem:s12+$0xFFFFFFFC ss:$0x81] =	vst.msk $0xffff, v1  }
0x3a: {  	v6 =	vld [tilespmem:s15+$0xFFFFFFD0];
	p1 =	slt.u32 s14, $0x78;
	[tilespmem:s12+$0xFFFFFFFD ss:$0x81] =	vst.msk $0xffff, v2  }
0x3b: {  	v7 =	vld [tilespmem:s15+$0xFFFFFFE0];
	[tilespmem:s12+$0xFFFFFFFE ss:$0x81] =	vst.msk $0xffff, v0  }
.Ltmp3:
0x3c: {  	v1 =	vld [tilespmem:s15+$0xFFFFFFF0];
	[tilespmem:s12+$0xFFFFFFFF ss:$0x81] =	vst.msk $0xffff, v4;
	(pc) =	sbr.rel @p1 .LBB1_3-.Ltmp3, $4  }
0x3d: {  	v2 =	vld [tilespmem:s15+$0x0];
	[tilespmem:s12+$0xFFFFFFF9 ss:$0x81] =	vst.msk $0xffff, v3;
	s12 =	sadd.s32 $0x8, s12  }
0x3e: {  	v0 =	vld [tilespmem:s15+$0x10];
	[tilespmem:s12+$0x0 ss:$0x81] =	vst.msk $0xffff, v5  }
0x3f: {  	[tilespmem:s12+$0xFFFFFFFA ss:$0x81] =	vst.msk $0xffff, v6;
	v4 =	vld [tilespmem:s15+$0x20]  }
0x40: {  	v3 =	vld [tilespmem:s15+$0xFFFFFFC0];
	[tilespmem:s12+$0xFFFFFFFB ss:$0x81] =	vst.msk $0xffff, v7;
	s15 =	sadd.s32 $0x80, s15  }
.Ltmp4:
0x41: {  	_ = 	snop;
	(pc) =	sbr.rel .LBB1_4-.Ltmp4, $1  }
0x42: {  	_ =	sdelay $0x3  }
.LBB1_6:
0x43: {  	_ =	sfence.sel $0x180000  }
0x44: {  	s2 =	simm.s32 $0x1;
	[bflag:$0x0] =	sbarrier.arrive $0xFFFF  }
0x45: {  	s31 =	simm.s32 $0x2;
	[sflag:s2] =	ssyncpa.u1 $0x1  }
0x46: {  	[sflag:s31] =	ssyncpa.u1 $0x1  }
0x47: {  	p0 =	sne.s32 s0, $0x0;
	_ =	strace $0x9000004A  }
0x48: {  	s0 =	sadd.s32 @!p0 $0x100000, s1;
	[bflag:$0x2] =	sbarrier.arrive $0xFFFF  }
0x49: {  	[sflag:s0] =	ssyncadd.tile.s32 @!p0 $0x1;
	_ =	shalt  }
.Lfunc_end1:
_tile_overlayer_lowered:
.L_overlay_start_2:
0x4a: {  	(tag) =	ssettag $0x2  }
0x4b: {  	s0 =	rddreg [dreg:$0x0];
	s2 =	stileid.u32  }
0x4c: {  	s1 =	rddreg [dreg:$0x1];
	p0 =	sne.s32 s2, $0x0  }
0x4d: {  	s3 =	rddreg [dreg:$0x2];
	[bflag:$0x3] =	sbarrier.arrive $0xFFFF;
	s2 =	simm.s32 @!p0 $0x1C01  }
0x4e: {  	[timem:s3], [sflag:s2] =	dma.local @!p0 [hbm:s0], s1  }
0x4f: {  	s0 =	simm.s32 @!p0 $0x1  }
0x50: {  	_ =	swait.ge @!p0 [sflag:s0], s1  }
0x51: {  	s1 =	ssub.s32 @!p0 $0x0, s1;
	[sflag:s0] =	ssyncset.done @!p0 $0x0  }
0x52: {  	[sflag:s0] =	ssyncadd.s32 @!p0 s1  }
0x53: {  	[bflag:$0x3] =	sbarrier.arrive $0xFFFF  }
0x54: {  	_ =	shalt  }

// kernel: sparse-core-data-format-call.cloned.1.call-start
scs
called_computation_lowered:
.L_overlay_start_0:
0x0: {  	s2 =	sld [smem:$0x3FD9]  }
0x1: {  	s3 =	sld [smem:$0x3FFE];
	_ =	sdelay $0x1  }
0x2: {  	s1 =	srdreg.scid  }
0x3: {  	s0 =	sand.u32 $0x1, s1  }
0x4: {  	s16 =	sshll.u32 s0, $0xA;
	s2 =	sadd.s32 s3, s2  }
0x5: {  	s2 =	sadd.s32 s2, s16  }
0x6: {  	[smem:$0x3FC5] =	sst s2  }
0x7: {  	_ = 	snop  }
0x8: {  	s2 =	sld [smem:$0x3FD0];
	_ =	sdelay $0x2  }
0x9: {  	s17 =	simm.s32 $0xB;
	s4 =	simm.s32 $0x10  }
0xa: {  	[smem:s4], [sflag:s17] =	dma.local [hbm:s2], $0x1  }
0xb: {  	_ =	swait.eq [sflag:s17], $0x1  }
0xc: {  	[sflag:s17] =	ssyncset.done $0x0  }
0xd: {  	[sflag:s17] =	ssyncadd.s32 $0xFFFFFFFF  }
0xe: {  	s18 =	sld [smem:$0x11];
	(tm) =	ssettm $0x1  }
0xf: {  	s19 =	sld [smem:$0x3FFB];
	_ =	sdelay $0x3  }
0x10: {  	_ =	strace s19  }
0x11: {  	s2 =	sld [smem:$0x3FFC];
	_ =	sdelay $0x3  }
0x12: {  	_ =	strace s2  }
0x13: {  	s2 =	sld [smem:$0x3FFD];
	_ =	sdelay $0x3  }
0x14: {  	_ =	strace s2  }
0x15: {  	_ =	strace $0x8FFFFFFF  }
0x16: {  	s20 =	sld [smem:$0x3FDB];
	_ =	sdelay $0x1  }
0x17: {  	s21 =	simm.s32 $_scs_section_size  }
0x18: {  	s5 =	simm.s32 $_size__tile_overlayer_lowered;
	s6 =	simm.s32 $_tile_overlayer_lowered  }
0x19: {  	s7 =	simm.s32 $0x1BFF;
	s22 =	sshll.u32 s6, $0x1;
	s4 =	sadd.s32 s21, s20  }
0x1a: {  	s23 =	simm.s32 $0x0;
	s5 =	sshll.u32 s5, $0x1;
	s6 =	sadd.s32 s22, s4  }
0x1b: {  	[timem:s23], [sflag:s7] =	dma.local [hbm:s6], s5  }
0x1c: {  	_ =	swait.ge [sflag:s7], s5  }
0x1d: {  	s5 =	ssub.s32 $0x0, s5;
	[sflag:s7] =	ssyncset.done $0x0  }
0x1e: {  	[sflag:s7] =	ssyncadd.s32 s5;
	_ =	sdelay $0x1  }
0x1f: {  	s24 =	simm.s32 $0x1B8B  }
0x20: {  	_ =	swait.ge [sflag:s24], $0x1  }
0x21: {  	[sflag:s24] =	ssyncset.done $0x0  }
0x22: {  	[sflag:s24] =	ssyncadd.s32 $0xFFFFFFFF  }
0x23: {  	s5 =	sld [smem:$0x0]  }
0x24: {  	s6 =	sand.u32 $0xFFFFFFFE, s1  }
0x25: {  	p0 =	sne.s32 s1, s6  }
0x26: {  	s6 =	sshll.u32 @p0 s6, $0xE  }
0x27: {  	s6 =	sadd.s32 @p0 $0x11B8D, s6;
	s7 =	sshll.u32 @p0 s5, $0x11  }
0x28: {  	s6 =	sor.u32 @p0 s7, s6  }
0x29: {  	[sflag:s6] =	ssyncadd.remote.s32 @p0 $0x1;
	_ =	sdelay $0x1  }
0x2a: {  	s6 =	simm.s32 @p0 $0x1B8D  }
0x2b: {  	_ =	swait.eq @p0 [sflag:s6], $0x1  }
0x2c: {  	[sflag:s6] =	ssyncadd.s32 @p0 $0xFFFFFFFF  }
0x2d: {  	s7 =	sshll.u32 @!p0 s1, $0xE  }
0x2e: {  	s7 =	sor.u32 @!p0 $0x4000, s7;
	s6 =	simm.s32 @!p0 $0x1B8D  }
0x2f: {  	s5 =	sshll.u32 @!p0 s5, $0x11;
	s7 =	sadd.s32 @!p0 $0x11B8D, s7;
	_ =	swait.eq @!p0 [sflag:s6], $0x1  }
0x30: {  	s5 =	sor.u32 @!p0 s5, s7;
	[sflag:s6] =	ssyncadd.s32 @!p0 $0xFFFFFFFF  }
0x31: {  	s26 =	simm.s32 $0x1B8E;
	s25 =	sld [smem:$0x3FFE];
	[sflag:s5] =	ssyncadd.remote.s32 @!p0 $0x1  }
0x32: {  	s27 =	simm.s32 $execute0_lowered;
	[smem:$0x3FD2] =	sst s26  }
0x33: {  	s6 =	sshll.u32 s27, $0x1;
	_ =	strace $0x8000004C;
	[dreg:$0x1] =	wrdreg $0xFFFFFFFF  }
0x34: {  	s28 =	simm.s32 $_size_execute0_lowered;
	s4 =	sadd.s32 s4, s6;
	[dreg:$0x0] =	wrdreg $0x0  }
0x35: {  	s6 =	sshll.u32 s28, $0x1;
	[dreg:$0x2] =	wrdreg s4  }
0x36: {  	[dreg:$0x3] =	wrdreg s6  }
0x37: {  	[dreg:$0x4] =	wrdreg $0xC0  }
0x38: {  	_ =	task [dreg:s23], $0x5FFFF  }
0x39: {  	[dreg:$0x1] =	wrdreg $0xFFFFFFFF  }
0x3a: {  	[dreg:$0x0] =	wrdreg $0x60  }
0x3b: {  	[dreg:$0x2] =	wrdreg s25  }
0x3c: {  	[dreg:$0x3] =	wrdreg s18  }
0x3d: {  	[dreg:$0x4] =	wrdreg $0x9  }
0x3e: {  	_ =	task.clear_ibuf [dreg:s23], $0x5FFFF;
	_ =	strace $0x9000004C  }
0x3f: {  	s29 =	simm.s32 $0x9;
	_ =	strace $0x8000004E  }
0x40: {  	_ =	swait.ge [sflag:s29], $0x1  }
0x41: {  	[sflag:s29] =	ssyncadd.s32 $0xFFFFFFFF  }
0x42: {  	_ =	strace $0x9000004E  }
0x43: {  	_ =	sfence  }
0x44: {  	s30 =	sld [smem:$0x0];
	_ =	sdelay $0x2  }
0x45: {  	s31 =	sshll.u32 s1, $0xD;
	s1 =	sshrl.u32 s1, $0x2  }
0x46: {  	s4 =	sand.u32 $0x4000, s31;
	s1 =	sadd.s32 s1, s30  }
0x47: {  	s0 =	sor.u32 s4, s0;
	s1 =	sshll.u32 s1, $0x11  }
0x48: {  	s0 =	sor.u32 s1, s0  }
0x49: {  	s0 =	sadd.s32 $0x8F2B, s0  }
0x4a: {  	[sflag:s0] =	ssyncadd.remote.s32 $0x1  }
0x4b: {  	_ =	sfence.sel $0xFFFF  }
0x4c: {  	[dreg:$0x0] =	wrdreg $0xFFFFFFFF;
	(pc) =	sbr.abs _section_cstart, $3  }
0x4d: {  	[dreg:$0x1] =	wrdreg $0xFFFFFFFF  }
0x4e: {  	_ =	task.clear_ibuf [dreg:s23], $0x2FFFF;
	_ =	strace $0x9FFFFFFF  }
0x4f: {  	(tm) =	ssettm $0x7FFFFFFF  }
tec
execute0_lowered:
.L_overlay_start_1:
0x0: {  	(tag) =	ssettag $0x1  }
0x1: {  	s0 =	srdreg.scid  }
0x2: {  	s1 =	sshll.u32 s0, $0x4  }
0x3: {  	s4 =	rddreg [dreg:$0x0];
	s0 =	stileid.u32;
	s1 =	sand.u32 $0x10, s1  }
0x4: {  	s2 =	rddreg [dreg:$0x1];
	s7 =	simm.s32 $0x1;
	s1 =	sor.u32 s0, s1  }
0x5: {  	s8 =	simm.s32 $0x2;
	s11 =	simm.s32 $0x0;
	s3 =	sshll.u32 s1, $0x7  }
0x6: {  	s10 =	simm.s32 $0x0;
	s4 =	sadd.s32 $0x1901600, s4;
	s6 =	ssub.s32 $0xC8000, s3  }
.Ltmp0:
0x7: {  	s1 =	rddreg [dreg:$0x2];
	s5 =	sand.u32 $0xF80, s6;
	(pc) =	sbr.rel .LBB1_1-.Ltmp0, $4  }
0x8: {  	_ =	strace $0x8000004D;
	s9 =	smov.u32 s3;
	p0 =	sne.s32 s5, $0x0  }
0x9: {  	s6 =	sshrl.u32 s6, $0xC;
	s5 =	simm.s32 $0x1;
	s7 =	simm.s32 @!p0 $0x0  }
0xa: {  	[sflag:s5] =	ssyncpa.u1 $0x0;
	p0 =	por $0x0, $0x0;
	s6 =	sadd.s32 s7, s6  }
0xb: {  	[sflag:s8] =	ssyncpa.u1 $0x0;
	s8 =	simm.s32 $0x640000;
	s7 =	sadd.s32 $0x1, s6  }
.LBB1_4:
0xc: {  	s14 =	sshll.u32 s11, $0x3  }
0xd: {  	s30 =	sand.u32 $0x7F, s11;
	s15 =	sand.u32 $0xFFFFFC00, s14  }
0xe: {  	s11 =	sor.u32 s30, s15  }
0xf: {  	s15 =	smulhi.u32 $0x51EB851F, s11  }
0x10: {  	s14 =	smulhi.u32 $0x51EB851F, s14  }
0x11: {  	s15 =	sshrl.u32 s15, $0x12  }
0x12: {  	s14 =	sshrl.u32 s14, $0x12;
	s15 =	smul.u32 $0xC8000, s15  }
0x13: {  	[tilespmem:s12+$0xFFFFFFFC ss:$0x81] =	vst.msk $0xffff, v1;
	s14 =	sand.u32 $0xF, s14  }
0x14: {  	[tilespmem:s12+$0xFFFFFFFD ss:$0x81] =	vst.msk $0xffff, v2;
	s14 =	smul.u32 $0x19000, s14;
	s11 =	ssub.s32 s11, s15  }
0x15: {  	[tilespmem:s12+$0xFFFFFFFE ss:$0x81] =	vst.msk $0xffff, v0;
	s15 =	sand.u32 $0x7, s11  }
0x16: {  	[tilespmem:s12+$0xFFFFFFFF ss:$0x81] =	vst.msk $0xffff, v4;
	s14 =	sadd.s32 s2, s14;
	s11 =	sshrl.u32 s11, $0x3;
	s15 =	sshll.u32 s15, $0x12  }
0x17: {  	[tilespmem:s12+$0xFFFFFFF9 ss:$0x81] =	vst.msk $0xffff, v3;
	s11 =	sadd.s32 s11, s14;
	s31 =	sor.u32 $0x400, s15  }
0x18: {  	[hbm4b:s11+s31] =	stream.strided.scatter [tilespmem:s13], [sflag:$0x2], $0x800, s8, s31, $0x20;
	[tilespmem:$0x2020] =	vst v63  }
.LBB1_5:
0x19: {  	s13 =	sadd.s32 $0x1000, s9  }
0x1a: {  	p2 =	sgt.s32 s13, $0xC7FFF  }
0x1b: {  	s13 =	smov.u32 @p2 s3;
	p2 =	sne.s32 s10, s7  }
.Ltmp1:
0x1c: {  	p1 =	slt.u32 s10, $0x2;
	(pc) =	sbr.rel @!p2 .LBB1_6-.Ltmp1, $4  }
0x1d: {  	s12 =	simm.s32 @!p1 $0x2  }
0x1e: {  	s14 =	sadd.s32 $0x1, s10;
	_ =	swait.ge @!p1 [sflag:s12], $0x800  }
0x1f: {  	s11 =	smov.u32 s9;
	p0 =	por !p0, !p0;
	[sflag:s12] =	ssyncset.done @!p1 $0x0  }
0x20: {  	s10 =	smov.u32 s14;
	s9 =	smov.u32 s13;
	[sflag:s12] =	ssyncadd.s32 @!p1 $0xFFFFF800  }
.LBB1_1:
0x21: {  	p1 =	sge.u32 s10, s6  }
0x22: {  	s12 =	sand.u32 @!p1 $0x1FFFFFF, s9  }
0x23: {  	s13 =	smulhi.u32 @!p1 $0x147AE15, s12;
	_ =	sdelay $0x1  }
0x24: {  	s13 =	sshrl.u32 @!p1 s13, $0xC  }
0x25: {  	s13 =	smul.u32 @!p1 $0xC8000, s13;
	_ =	sdelay $0x1  }
0x26: {  	s31 =	sadd.s32 $0xFFFFFFFF, s10;
	s14 =	sxor.u32 @!p1 $0xFFFFFFFF, s10;
	s12 =	ssub.s32 @!p1 s12, s13  }
0x27: {  	s15 =	simm.s32 @!p1 $0x80;
	s14 =	sshll.u32 @!p1 s14, $0xB;
	s12 =	sshll.u32 @!p1 s12, $0x4  }
0x28: {  	s13 =	sand.u32 @!p1 $0x800, s14;
	s14 =	simm.s32 @!p1 $0x10;
	s12 =	sadd.s32 @!p1 s4, s12  }
0x29: {  	[tilespmem:s13], [sflag:$0x1] =	stream.strided.gather @!p1 [hbm4b:s12+s14], $0x800, s15, s14, $0x38;
	[tilespmem:$0x2020] =	vst v63  }
0x2a: {  	p1 =	sge.u32 s31, s6  }
.Ltmp2:
0x2b: {  	_ = 	snop;
	(pc) =	sbr.rel @p1 .LBB1_5-.Ltmp2, $1  }
0x2c: {  	_ =	sdelay $0x3  }
0x2d: {  	s12 =	simm.s32 $0x1  }
0x2e: {  	_ =	swait.ge [sflag:s5], $0x800;
	s12 =	simm.s32 @!p0 $0x0  }
0x2f: {  	[sflag:s5] =	ssyncset.done $0x0;
	s13 =	sshll.u32 s12, $0xB  }
0x30: {  	[sflag:s5] =	ssyncadd.s32 $0xFFFFF800;
	s15 =	sor.u32 $0x40, s13  }
0x31: {  	v3 =	vld [tilespmem:s15+$0x30]  }
0x32: {  	s12 =	smul.u32 $0x2040, s12;
	v4 =	vld [tilespmem:s15+$0xFFFFFFD0]  }
0x33: {  	v5 =	vld [tilespmem:s15+$0xFFFFFFE0]  }
0x34: {  	s31 =	sand.u32 $0x1, s10;
	s12 =	sshrl.u32 s12, $0x2;
	v1 =	vld [tilespmem:s15+$0xFFFFFFF0]  }
0x35: {  	s13 =	smul.u32 $0x2040, s31;
	v2 =	vld [tilespmem:s15+$0x0];
	s12 =	sor.u32 $0x1007, s12  }
0x36: {  	v0 =	vld [tilespmem:s15+$0x10];
	[tilespmem:s12+$0x0 ss:$0x81] =	vst.msk $0xffff, v3  }
0x37: {  	s13 =	sshrl.u32 s13, $0x2;
	[tilespmem:s12+$0xFFFFFFFA ss:$0x81] =	vst.msk $0xffff, v4;
	v4 =	vld [tilespmem:s15+$0x20]  }
0x38: {  	s14 =	simm.s32 $0x0;
	s13 =	sor.u32 $0x1000, s13;
	v3 =	vld [tilespmem:s15+$0xFFFFFFC0];
	[tilespmem:s12+$0xFFFFFFFB ss:$0x81] =	vst.msk $0xffff, v5;
	s15 =	sadd.s32 $0x80, s15  }
.LBB1_3:
0x39: {  	v5 =	vld [tilespmem:s15+$0x30];
	s14 =	sadd.s32 $0x8, s14;
	[tilespmem:s12+$0xFFFFFFFC ss:$0x81] =	vst.msk $0xffff, v1  }
0x3a: {  	v6 =	vld [tilespmem:s15+$0xFFFFFFD0];
	p1 =	slt.u32 s14, $0x78;
	[tilespmem:s12+$0xFFFFFFFD ss:$0x81] =	vst.msk $0xffff, v2  }
0x3b: {  	v7 =	vld [tilespmem:s15+$0xFFFFFFE0];
	[tilespmem:s12+$0xFFFFFFFE ss:$0x81] =	vst.msk $0xffff, v0  }
.Ltmp3:
0x3c: {  	v1 =	vld [tilespmem:s15+$0xFFFFFFF0];
	[tilespmem:s12+$0xFFFFFFFF ss:$0x81] =	vst.msk $0xffff, v4;
	(pc) =	sbr.rel @p1 .LBB1_3-.Ltmp3, $4  }
0x3d: {  	v2 =	vld [tilespmem:s15+$0x0];
	[tilespmem:s12+$0xFFFFFFF9 ss:$0x81] =	vst.msk $0xffff, v3;
	s12 =	sadd.s32 $0x8, s12  }
0x3e: {  	v0 =	vld [tilespmem:s15+$0x10];
	[tilespmem:s12+$0x0 ss:$0x81] =	vst.msk $0xffff, v5  }
0x3f: {  	[tilespmem:s12+$0xFFFFFFFA ss:$0x81] =	vst.msk $0xffff, v6;
	v4 =	vld [tilespmem:s15+$0x20]  }
0x40: {  	v3 =	vld [tilespmem:s15+$0xFFFFFFC0];
	[tilespmem:s12+$0xFFFFFFFB ss:$0x81] =	vst.msk $0xffff, v7;
	s15 =	sadd.s32 $0x80, s15  }
.Ltmp4:
0x41: {  	_ = 	snop;
	(pc) =	sbr.rel .LBB1_4-.Ltmp4, $1  }
0x42: {  	_ =	sdelay $0x3  }
.LBB1_6:
0x43: {  	_ =	sfence.sel $0x180000  }
0x44: {  	s2 =	simm.s32 $0x1;
	[bflag:$0x0] =	sbarrier.arrive $0xFFFF  }
0x45: {  	s31 =	simm.s32 $0x2;
	[sflag:s2] =	ssyncpa.u1 $0x1  }
0x46: {  	[sflag:s31] =	ssyncpa.u1 $0x1  }
0x47: {  	p0 =	sne.s32 s0, $0x0;
	_ =	strace $0x9000004D  }
0x48: {  	s0 =	sadd.s32 @!p0 $0x100000, s1;
	[bflag:$0x2] =	sbarrier.arrive $0xFFFF  }
0x49: {  	[sflag:s0] =	ssyncadd.tile.s32 @!p0 $0x1;
	_ =	shalt  }
.Lfunc_end1:
_tile_overlayer_lowered:
.L_overlay_start_2:
0x4a: {  	(tag) =	ssettag $0x2  }
0x4b: {  	s0 =	rddreg [dreg:$0x0];
	s2 =	stileid.u32  }
0x4c: {  	s1 =	rddreg [dreg:$0x1];
	p0 =	sne.s32 s2, $0x0  }
0x4d: {  	s3 =	rddreg [dreg:$0x2];
	[bflag:$0x3] =	sbarrier.arrive $0xFFFF;
	s2 =	simm.s32 @!p0 $0x1C01  }
0x4e: {  	[timem:s3], [sflag:s2] =	dma.local @!p0 [hbm:s0], s1  }
0x4f: {  	s0 =	simm.s32 @!p0 $0x1  }
0x50: {  	_ =	swait.ge @!p0 [sflag:s0], s1  }
0x51: {  	s1 =	ssub.s32 @!p0 $0x0, s1;
	[sflag:s0] =	ssyncset.done @!p0 $0x0  }
0x52: {  	[sflag:s0] =	ssyncadd.s32 @!p0 s1  }
0x53: {  	[bflag:$0x3] =	sbarrier.arrive $0xFFFF  }
0x54: {  	_ =	shalt  }

</sc_bundles>
